<compile_context>
chip_gen: v7x
topology: tpu7x:2x2x1
jax: 0.10.2.dev20260603
libtpu: 0.0.44.dev20260713+nightly
codegen_flags: <defaults>
</compile_context>

<pallas_src>
import functools

import jax
import jax.numpy as jnp
from jax import lax
from jax.experimental import pallas as pl
from jax.experimental.pallas import tpu as pltpu
from jax.experimental.pallas import tpu_sc as plsc

NC = 2
NS = 16
NW = NC * NS

CHUNK = 176
ZROWS = 16


def _segment_sum_sc(edge_state, edge_dst, n_nodes, n_pad):
    n_edges, d = edge_state.shape
    nload = n_edges // (NW * CHUNK)
    assert nload % 2 == 0 and nload >= 4
    npair = nload // 2
    epw = nload * CHUNK
    ntail = n_edges - NW * epw
    tail_per_w = ntail // NW
    assert tail_per_w * NW == ntail
    assert tail_per_w % 8 == 0 and tail_per_w <= CHUNK
    rows_per_tile = n_pad // NS
    assert rows_per_tile * NS == n_pad and rows_per_tile % 8 == 0
    assert rows_per_tile % ZROWS == 0
    nzcopy = rows_per_tile // ZROWS
    last_rows = n_nodes - (NS - 1) * rows_per_tile
    assert 0 < last_rows <= rows_per_tile and last_rows % 8 == 0

    mesh = plsc.VectorSubcoreMesh(core_axis_name="c", subcore_axis_name="s")

    @functools.partial(
        pl.kernel,
        out_type=jax.ShapeDtypeStruct((NC, n_nodes, d), jnp.float32),
        mesh=mesh,
        scratch_types=[
            pltpu.VMEM_SHARED((n_pad, d), jnp.float32),
            pltpu.VMEM((CHUNK, d), jnp.float32),
            pltpu.VMEM((CHUNK, d), jnp.float32),
            pltpu.VMEM((CHUNK,), jnp.int32),
            pltpu.VMEM((CHUNK,), jnp.int32),
            pltpu.VMEM((max(tail_per_w, 8),), jnp.int32),
            pltpu.VMEM((ZROWS, d), jnp.float32),
            pltpu.SemaphoreType.DMA,
            pltpu.SemaphoreType.DMA,
            pltpu.SemaphoreType.DMA,
            pltpu.SemaphoreType.DMA,
        ],
    )
    def seg_sum(es_hbm, dst_hbm, out_hbm, acc, rows_a, rows_b, idx_a, idx_b,
                idx_t, zbuf, sem_ra, sem_rb, sem_ia, sem_ib):
        cid = lax.axis_index("c")
        sid = lax.axis_index("s")
        wid = sid * NC + cid

        def start_load(li, rbuf, ibuf, rsem, isem):
            base = wid * epw + li * CHUNK
            pltpu.async_copy(es_hbm.at[pl.ds(base, CHUNK)], rbuf, rsem)
            pltpu.async_copy(dst_hbm.at[pl.ds(base, CHUNK)], ibuf, isem)

        def wait_load(rbuf, ibuf, rsem, isem):
            pltpu.make_async_copy(es_hbm.at[pl.ds(0, CHUNK)], rbuf, rsem).wait()
            pltpu.make_async_copy(dst_hbm.at[pl.ds(0, CHUNK)], ibuf, isem).wait()

        start_load(0, rows_a, idx_a, sem_ra, sem_ia)

        zero16 = jnp.zeros((16,), jnp.float32)
        lanes = d // 16

        def zstore(i, carry):
            zbuf[i // lanes, pl.ds((i % lanes) * 16, 16)] = zero16
            return carry

        lax.fori_loop(0, ZROWS * lanes, zstore, 0)

        def zcopy(k, carry):
            pltpu.sync_copy(zbuf, acc.at[pl.ds(sid * rows_per_tile + k * ZROWS, ZROWS)])
            return carry

        lax.fori_loop(0, nzcopy, zcopy, 0)
        plsc.subcore_barrier()

        def scatter_chunk(rbuf, ibuf):
            pltpu.sync_copy(rbuf, acc.at[ibuf], add=True)

        def body(j, carry):
            wait_load(rows_a, idx_a, sem_ra, sem_ia)
            start_load(2 * j + 1, rows_b, idx_b, sem_rb, sem_ib)
            scatter_chunk(rows_a, idx_a)
            wait_load(rows_b, idx_b, sem_rb, sem_ib)
            start_load(jnp.minimum(2 * j + 2, nload - 1), rows_a, idx_a, sem_ra, sem_ia)
            scatter_chunk(rows_b, idx_b)
            return carry

        lax.fori_loop(0, npair, body, 0)
        wait_load(rows_a, idx_a, sem_ra, sem_ia)

        if tail_per_w:
            base = NW * epw + wid * tail_per_w
            pltpu.sync_copy(es_hbm.at[pl.ds(base, tail_per_w)],
                            rows_a.at[pl.ds(0, tail_per_w)])
            pltpu.sync_copy(dst_hbm.at[pl.ds(base, tail_per_w)], idx_t)
            pltpu.sync_copy(rows_a.at[pl.ds(0, tail_per_w)], acc.at[idx_t], add=True)

        plsc.subcore_barrier()

        @pl.when(sid < NS - 1)
        def _full():
            pltpu.sync_copy(
                acc.at[pl.ds(sid * rows_per_tile, rows_per_tile)],
                out_hbm.at[cid, pl.ds(sid * rows_per_tile, rows_per_tile)],
            )

        @pl.when(sid == NS - 1)
        def _last():
            pltpu.sync_copy(
                acc.at[pl.ds((NS - 1) * rows_per_tile, last_rows)],
                out_hbm.at[cid, pl.ds((NS - 1) * rows_per_tile, last_rows)],
            )

    return seg_sum(edge_state, edge_dst)


def _dense_body(nf_ref, p_ref, w_ref, b_ref, o_ref):
    d = nf_ref.shape[1]
    ns = p_ref[0] + p_ref[1]
    x = jnp.dot(nf_ref[...], w_ref[0:d, :], preferred_element_type=jnp.float32)
    y = jnp.dot(ns, w_ref[d:, :], preferred_element_type=jnp.float32)
    o_ref[...] = jnp.maximum(x + y + b_ref[...], 0.0)


def kernel(node_feature, edge_state, edge_dst, W, b):
    n_nodes, d = node_feature.shape
    units = W.shape[1]
    g = NS * ZROWS
    n_pad = ((n_nodes + g - 1) // g) * g
    partials = _segment_sum_sc(edge_state, edge_dst.astype(jnp.int32), n_nodes, n_pad)

    blk = 5000
    assert n_nodes % blk == 0
    grid = (n_nodes // blk,)
    out = pl.pallas_call(
        _dense_body,
        grid=grid,
        in_specs=[
            pl.BlockSpec((blk, d), lambda i: (i, 0)),
            pl.BlockSpec((NC, blk, d), lambda i: (0, i, 0)),
            pl.BlockSpec(W.shape, lambda i: (0, 0)),
            pl.BlockSpec((1, units), lambda i: (0, 0)),
        ],
        out_specs=pl.BlockSpec((blk, units), lambda i: (i, 0)),
        out_shape=jax.ShapeDtypeStruct((n_nodes, units), jnp.float32),
    )(node_feature, partials, W, b.reshape(1, units))
    return out

# --- scband reference (transcript-rebuilt; emitter-appended) ---
"""Pipeline reference for scband-node-readout-12429635354784 (READ-ONLY COPY).

The authoritative reference and input builder live on the scoring server;
editing this copy changes nothing except your own understanding.
"""

import jax, jax.numpy as jnp
import numpy as np

N_NODES = 10000
N_EDGES = 320000
D_FEAT = 128
D_EDGE_STATE = 128
UNITS = 128  # dense_kwargs defaults: units = edge_state last dim


def setup_inputs(seed: int = 0) -> dict:
    key = jax.random.key(seed)
    k1, k2, k3, k4 = jax.random.split(key, 4)
    node_feature = jax.random.normal(k1, (N_NODES, D_FEAT), dtype=jnp.float32)
    edge_state = jax.random.normal(k2, (N_EDGES, D_EDGE_STATE), dtype=jnp.float32)
    edge_dst = jax.random.randint(k3, (N_EDGES,), 0, N_NODES, dtype=jnp.int64 if jax.config.jax_enable_x64 else jnp.int32)
    # Dense projection params: input dim = D_FEAT + D_EDGE_STATE, units = D_EDGE_STATE
    W = jax.random.normal(k4, (D_FEAT + D_EDGE_STATE, UNITS), dtype=jnp.float32) * (1.0 / np.sqrt(D_FEAT + D_EDGE_STATE))
    b = jnp.zeros((UNITS,), dtype=jnp.float32)
    return {"node_feature": node_feature, "edge_state": edge_state, "edge_dst": edge_dst, "W": W, "b": b}


def reference(node_feature, edge_state, edge_dst, W, b):
    # tf.math.unsorted_segment_sum(edge_state, edge_dst, num_nodes)
    num_nodes = node_feature.shape[0]
    node_state = jax.ops.segment_sum(edge_state, edge_dst, num_segments=num_nodes)
    # tf.concat([node_feature, node_state], axis=-1)
    node_state = jnp.concatenate([node_feature, node_state], axis=-1)
    # Dense(units=128, activation='relu')
    out = jax.nn.relu(node_state @ W + b)
    return out

if __name__ == "__main__":
    import jax
    _d = setup_inputs()
    print(jax.jit(kernel)(*tuple(_d.values())))

</pallas_src>

<mosaic_0001>
#map = affine_map<(d0, d1) -> (0, 0)>
#map1 = affine_map<(d0, d1) -> (0)>
#map2 = affine_map<(d0, d1) -> (0, 0, 0)>
module attributes {stable_mosaic.version = 14 : i64} {
  func.func @seg_sum(%arg0: i32, %arg1: i32, %arg2: memref<320000x128xf32, #tpu.memory_space<hbm>>, %arg3: memref<320000xi32, #tpu.memory_space<hbm>>, %arg4: memref<2x10000x128xf32, #tpu.memory_space<hbm>>, %arg5: memref<10240x128xf32, #tpu.memory_space<vmem_shared>>, %arg6: memref<176x128xf32, #tpu.memory_space<vmem>>, %arg7: memref<176x128xf32, #tpu.memory_space<vmem>>, %arg8: memref<176xi32, #tpu.memory_space<vmem>>, %arg9: memref<176xi32, #tpu.memory_space<vmem>>, %arg10: memref<144xi32, #tpu.memory_space<vmem>>, %arg11: memref<16x128xf32, #tpu.memory_space<vmem>>, %arg12: memref<!tpu.dma_semaphore, #tpu.memory_space<semaphore_mem>>, %arg13: memref<!tpu.dma_semaphore, #tpu.memory_space<semaphore_mem>>, %arg14: memref<!tpu.dma_semaphore, #tpu.memory_space<semaphore_mem>>, %arg15: memref<!tpu.dma_semaphore, #tpu.memory_space<semaphore_mem>>) attributes {dimension_semantics = [#tpu.dimension_semantics<core_parallel>, #tpu.dimension_semantics<subcore_parallel>], iteration_bounds = array<i64: 2, 16>, scalar_prefetch = 0 : i64, scratch_operands = 11 : i64, tpu.core_type = #tpu.core_type<sc_vector_subcore>, window_params = [{transform_indices = #map}, {transform_indices = #map1}, {transform_indices = #map2}]} {
    %mul3A = arith.constant 2 : i32
    %mul3A_0 = arith.muli %arg1, %mul3A : i32
    %add3A = arith.addi %mul3A_0, %arg0 : i32
    %mul3A_1 = arith.constant 9856 : i32
    %mul3A_2 = arith.muli %add3A, %mul3A_1 : i32
    %add3A_3 = arith.constant 0 : i32
    %add3A_4 = arith.addi %mul3A_2, %add3A_3 : i32
    %dma_start3A = arith.constant 0 : i32
    %dma_start3A_5 = tpu.memref_slice %arg2[%add3A_4, %dma_start3A] : memref<320000x128xf32, #tpu.memory_space<hbm>> -> memref<176x128xf32, #tpu.memory_space<hbm>>
    %dma_start3A_6 = arith.constant 0 : i32
    %dma_start3A_7 = tpu.memref_slice %arg2[%add3A_4, %dma_start3A_6] : memref<320000x128xf32, #tpu.memory_space<hbm>> -> memref<176x128xf32, #tpu.memory_space<hbm>>
    tpu.enqueue_dma source(%dma_start3A_7 : memref<176x128xf32, #tpu.memory_space<hbm>>) target(%arg6 : memref<176x128xf32, #tpu.memory_space<vmem>>) target_semaphore(%arg12 : memref<!tpu.dma_semaphore, #tpu.memory_space<semaphore_mem>>)
    %dma_start3A_8 = tpu.memref_slice %arg3[%add3A_4] : memref<320000xi32, #tpu.memory_space<hbm>> -> memref<176xi32, #tpu.memory_space<hbm>>
    %dma_start3A_9 = tpu.memref_slice %arg3[%add3A_4] : memref<320000xi32, #tpu.memory_space<hbm>> -> memref<176xi32, #tpu.memory_space<hbm>>
    tpu.enqueue_dma source(%dma_start3A_9 : memref<176xi32, #tpu.memory_space<hbm>>) target(%arg8 : memref<176xi32, #tpu.memory_space<vmem>>) target_semaphore(%arg14 : memref<!tpu.dma_semaphore, #tpu.memory_space<semaphore_mem>>)
    %broadcast_in_dim3A = arith.constant 0.000000e+00 : f32
    %broadcast_in_dim3A_10 = vector.broadcast %broadcast_in_dim3A : f32 to vector<16xf32>
    %scan3A = arith.constant 0 : i32
    %scan3A_11 = arith.constant 0 : i32
    %scan3A_12 = arith.constant 128 : i32
    %scan3A_13 = arith.addi %scan3A_11, %scan3A_12 : i32
    %scan3A_14 = arith.constant 1 : i32
    scf.for %scan3A_48 = %scan3A_11 to %scan3A_13 step %scan3A_14  : i32 {
      %jit3A = arith.constant 8 : i32
      %div3A = arith.divsi %scan3A_48, %jit3A : i32
      %sign3A = arith.constant 0 : i32
      %sign3A_49 = arith.cmpi sgt, %scan3A_48, %sign3A : i32
      %sign3A_50 = arith.extui %sign3A_49 : i1 to i32
      %sign3A_51 = arith.constant 0 : i32
      %sign3A_52 = arith.cmpi slt, %scan3A_48, %sign3A_51 : i32
      %sign3A_53 = arith.extui %sign3A_52 : i1 to i32
      %sign3A_54 = arith.subi %sign3A_50, %sign3A_53 : i32
      %sign3A_55 = arith.constant 0 : i32
      %sign3A_56 = arith.cmpi sgt, %jit3A, %sign3A_55 : i32
      %sign3A_57 = arith.extui %sign3A_56 : i1 to i32
      %sign3A_58 = arith.constant 0 : i32
      %sign3A_59 = arith.cmpi slt, %jit3A, %sign3A_58 : i32
      %sign3A_60 = arith.extui %sign3A_59 : i1 to i32
      %sign3A_61 = arith.subi %sign3A_57, %sign3A_60 : i32
      %ne3A = arith.cmpi ne, %sign3A_54, %sign3A_61 : i32
      %rem3A = arith.remsi %scan3A_48, %jit3A : i32
      %ne3A_62 = arith.constant 0 : i32
      %ne3A_63 = arith.cmpi ne, %rem3A, %ne3A_62 : i32
      %and3A = arith.andi %ne3A, %ne3A_63 : i1
      %sub3A = arith.constant 1 : i32
      %sub3A_64 = arith.subi %div3A, %sub3A : i32
      %select_n3A = arith.select %and3A, %sub3A_64, %div3A : i32
      %jit3A_65 = arith.constant 8 : i32
      %eq3A_66 = arith.constant 0 : i32
      %eq3A_67 = arith.cmpi eq, %jit3A_65, %eq3A_66 : i32
      %jit3A_68 = arith.constant 1 : i32
      %select_n3A_69 = arith.select %eq3A_67, %jit3A_68, %jit3A_65 : i32
      %rem3A_70 = arith.remsi %scan3A_48, %select_n3A_69 : i32
      %ne3A_71 = arith.constant 0 : i32
      %ne3A_72 = arith.cmpi ne, %rem3A_70, %ne3A_71 : i32
      %lt3A_73 = arith.constant 0 : i32
      %lt3A_74 = arith.cmpi slt, %rem3A_70, %lt3A_73 : i32
      %lt3A_75 = arith.constant 0 : i32
      %lt3A_76 = arith.cmpi slt, %select_n3A_69, %lt3A_75 : i32
      %ne3A_77 = arith.xori %lt3A_74, %lt3A_76 : i1
      %and3A_78 = arith.andi %ne3A_77, %ne3A_72 : i1
      %add3A_79 = arith.addi %rem3A_70, %select_n3A_69 : i32
      %select_n3A_80 = arith.select %and3A_78, %add3A_79, %rem3A_70 : i32
      %mul3A_81 = arith.constant 16 : i32
      %mul3A_82 = arith.muli %select_n3A_80, %mul3A_81 : i32
      %swap3A = arith.index_cast %select_n3A : i32 to index
      %swap3A_83 = arith.index_cast %mul3A_82 : i32 to index
      %swap3A_84 = tpu.vector_load %arg11[%swap3A, %swap3A_83] {strides = array<i32>} : memref<16x128xf32, #tpu.memory_space<vmem>>, vector<1x16xf32>,
      %swap3A_85 = vector.shape_cast %swap3A_84 : vector<1x16xf32> to vector<16xf32>
      %swap3A_86 = vector.shape_cast %broadcast_in_dim3A_10 : vector<16xf32> to vector<1x16xf32>
      tpu.vector_store %arg11[%swap3A, %swap3A_83], %swap3A_86 {strides = array<i32>} : memref<16x128xf32, #tpu.memory_space<vmem>>, vector<1x16xf32>,
    }
    %scan3A_15 = arith.constant 128 : i32
    %scan3A_16 = arith.constant 0 : i32
    %scan3A_17 = arith.constant 0 : i32
    %scan3A_18 = arith.constant 40 : i32
    %scan3A_19 = arith.addi %scan3A_17, %scan3A_18 : i32
    %scan3A_20 = arith.constant 1 : i32
    scf.for %scan3A_48 = %scan3A_17 to %scan3A_19 step %scan3A_20  : i32 {
      %mul3A_49 = arith.constant 640 : i32
      %mul3A_50 = arith.muli %arg1, %mul3A_49 : i32
      %mul3A_51 = arith.constant 16 : i32
      %mul3A_52 = arith.muli %scan3A_48, %mul3A_51 : i32
      %add3A_53 = arith.addi %mul3A_50, %mul3A_52 : i32
      "tpu.region"() ({
        %run_scoped3A = tpu.sem_alloc : memref<!tpu.dma_semaphore, #tpu.memory_space<semaphore_mem>>
        %dma_start3A_54 = arith.constant 0 : i32
        %dma_start3A_55 = tpu.memref_slice %arg5[%add3A_53, %dma_start3A_54] : memref<10240x128xf32, #tpu.memory_space<vmem_shared>> -> memref<16x128xf32, #tpu.memory_space<vmem_shared>>
        %dma_start3A_56 = arith.constant 0 : i32
        %dma_start3A_57 = tpu.memref_slice %arg5[%add3A_53, %dma_start3A_56] : memref<10240x128xf32, #tpu.memory_space<vmem_shared>> -> memref<16x128xf32, #tpu.memory_space<vmem_shared>>
        tpu.enqueue_dma source(%arg11 : memref<16x128xf32, #tpu.memory_space<vmem>>) target(%dma_start3A_57 : memref<16x128xf32, #tpu.memory_space<vmem_shared>>) target_semaphore(%run_scoped3A : memref<!tpu.dma_semaphore, #tpu.memory_space<semaphore_mem>>)
        %dma_wait3A_58 = arith.constant 0 : i32
        %dma_wait3A_59 = tpu.memref_slice %arg5[%add3A_53, %dma_wait3A_58] : memref<10240x128xf32, #tpu.memory_space<vmem_shared>> -> memref<16x128xf32, #tpu.memory_space<vmem_shared>>
        %dma_wait3A_60 = arith.constant 0 : i32
        %dma_wait3A_61 = tpu.memref_slice %arg5[%add3A_53, %dma_wait3A_60] : memref<10240x128xf32, #tpu.memory_space<vmem_shared>> -> memref<16x128xf32, #tpu.memory_space<vmem_shared>>
        tpu.wait_dma2 semaphore(%run_scoped3A : memref<!tpu.dma_semaphore, #tpu.memory_space<semaphore_mem>>) src(%arg11 : memref<16x128xf32, #tpu.memory_space<vmem>>) dst(%dma_wait3A_61 : memref<16x128xf32, #tpu.memory_space<vmem_shared>>)
        tpu.yield
      }) : () -> ()
    }
    %scan3A_21 = arith.constant 40 : i32
    %barrier3A = arith.constant 0 : index
    tpu.barrier barrier_id(%barrier3A)
    %scan3A_22 = arith.constant 0 : i32
    %scan3A_23 = arith.constant 0 : i32
    %scan3A_24 = arith.constant 28 : i32
    %scan3A_25 = arith.addi %scan3A_23, %scan3A_24 : i32
    %scan3A_26 = arith.constant 1 : i32
    scf.for %scan3A_48 = %scan3A_23 to %scan3A_25 step %scan3A_26  : i32 {
      %dma_wait3A_49 = arith.constant 0 : i32
      %dma_wait3A_50 = arith.constant 0 : i32
      %dma_wait3A_51 = tpu.memref_slice %arg2[%dma_wait3A_49, %dma_wait3A_50] : memref<320000x128xf32, #tpu.memory_space<hbm>> -> memref<176x128xf32, #tpu.memory_space<hbm>>
      %dma_wait3A_52 = arith.constant 0 : i32
      %dma_wait3A_53 = arith.constant 0 : i32
      %dma_wait3A_54 = tpu.memref_slice %arg2[%dma_wait3A_52, %dma_wait3A_53] : memref<320000x128xf32, #tpu.memory_space<hbm>> -> memref<176x128xf32, #tpu.memory_space<hbm>>
      tpu.wait_dma2 semaphore(%arg12 : memref<!tpu.dma_semaphore, #tpu.memory_space<semaphore_mem>>) src(%dma_wait3A_54 : memref<176x128xf32, #tpu.memory_space<hbm>>) dst(%arg6 : memref<176x128xf32, #tpu.memory_space<vmem>>)
      %dma_wait3A_55 = arith.constant 0 : i32
      %dma_wait3A_56 = tpu.memref_slice %arg3[%dma_wait3A_55] : memref<320000xi32, #tpu.memory_space<hbm>> -> memref<176xi32, #tpu.memory_space<hbm>>
      %dma_wait3A_57 = arith.constant 0 : i32
      %dma_wait3A_58 = tpu.memref_slice %arg3[%dma_wait3A_57] : memref<320000xi32, #tpu.memory_space<hbm>> -> memref<176xi32, #tpu.memory_space<hbm>>
      tpu.wait_dma2 semaphore(%arg14 : memref<!tpu.dma_semaphore, #tpu.memory_space<semaphore_mem>>) src(%dma_wait3A_58 : memref<176xi32, #tpu.memory_space<hbm>>) dst(%arg8 : memref<176xi32, #tpu.memory_space<vmem>>)
      %mul3A_59 = arith.constant 2 : i32
      %mul3A_60 = arith.muli %mul3A_59, %scan3A_48 : i32
      %add3A_61 = arith.constant 1 : i32
      %add3A_62 = arith.addi %mul3A_60, %add3A_61 : i32
      %mul3A_63 = arith.constant 9856 : i32
      %mul3A_64 = arith.muli %add3A, %mul3A_63 : i32
      %mul3A_65 = arith.constant 176 : i32
      %mul3A_66 = arith.muli %add3A_62, %mul3A_65 : i32
      %add3A_67 = arith.addi %mul3A_64, %mul3A_66 : i32
      %dma_start3A_68 = arith.constant 0 : i32
      %dma_start3A_69 = tpu.memref_slice %arg2[%add3A_67, %dma_start3A_68] : memref<320000x128xf32, #tpu.memory_space<hbm>> -> memref<176x128xf32, #tpu.memory_space<hbm>>
      %dma_start3A_70 = arith.constant 0 : i32
      %dma_start3A_71 = tpu.memref_slice %arg2[%add3A_67, %dma_start3A_70] : memref<320000x128xf32, #tpu.memory_space<hbm>> -> memref<176x128xf32, #tpu.memory_space<hbm>>
      tpu.enqueue_dma source(%dma_start3A_71 : memref<176x128xf32, #tpu.memory_space<hbm>>) target(%arg7 : memref<176x128xf32, #tpu.memory_space<vmem>>) target_semaphore(%arg13 : memref<!tpu.dma_semaphore, #tpu.memory_space<semaphore_mem>>)
      %dma_start3A_72 = tpu.memref_slice %arg3[%add3A_67] : memref<320000xi32, #tpu.memory_space<hbm>> -> memref<176xi32, #tpu.memory_space<hbm>>
      %dma_start3A_73 = tpu.memref_slice %arg3[%add3A_67] : memref<320000xi32, #tpu.memory_space<hbm>> -> memref<176xi32, #tpu.memory_space<hbm>>
      tpu.enqueue_dma source(%dma_start3A_73 : memref<176xi32, #tpu.memory_space<hbm>>) target(%arg9 : memref<176xi32, #tpu.memory_space<vmem>>) target_semaphore(%arg15 : memref<!tpu.dma_semaphore, #tpu.memory_space<semaphore_mem>>)
      "tpu.region"() ({
        %run_scoped3A = tpu.sem_alloc : memref<!tpu.dma_semaphore, #tpu.memory_space<semaphore_mem>>
        %dma_start3A_100 = arith.constant 0 : i32
        %dma_start3A_101 = arith.constant 0 : i32
        %dma_start3A_102 = tpu.memref_slice %arg5[%dma_start3A_100, %dma_start3A_101] : memref<10240x128xf32, #tpu.memory_space<vmem_shared>> -> memref<10240x128xf32, #tpu.memory_space<vmem_shared>>
        tpu.enqueue_indirect_dma source(%arg6 : memref<176x128xf32, #tpu.memory_space<vmem>>) target(%dma_start3A_102 : memref<10240x128xf32, #tpu.memory_space<vmem_shared>>) offsets(%arg8 : memref<176xi32, #tpu.memory_space<vmem>>) semaphore(%run_scoped3A : memref<!tpu.dma_semaphore, #tpu.memory_space<semaphore_mem>>) {add = true}
        %dma_wait3A_103 = arith.constant 0 : i32
        %dma_wait3A_104 = arith.constant 0 : i32
        %dma_wait3A_105 = tpu.memref_slice %arg5[%dma_wait3A_103, %dma_wait3A_104] : memref<10240x128xf32, #tpu.memory_space<vmem_shared>> -> memref<10240x128xf32, #tpu.memory_space<vmem_shared>>
        tpu.wait_indirect_dma semaphore(%run_scoped3A : memref<!tpu.dma_semaphore, #tpu.memory_space<semaphore_mem>>) src(%arg6 : memref<176x128xf32, #tpu.memory_space<vmem>>) dst(%dma_wait3A_105 : memref<10240x128xf32, #tpu.memory_space<vmem_shared>>)
        tpu.yield
      }) : () -> ()
      %dma_wait3A_74 = arith.constant 0 : i32
      %dma_wait3A_75 = arith.constant 0 : i32
      %dma_wait3A_76 = tpu.memref_slice %arg2[%dma_wait3A_74, %dma_wait3A_75] : memref<320000x128xf32, #tpu.memory_space<hbm>> -> memref<176x128xf32, #tpu.memory_space<hbm>>
      %dma_wait3A_77 = arith.constant 0 : i32
      %dma_wait3A_78 = arith.constant 0 : i32
      %dma_wait3A_79 = tpu.memref_slice %arg2[%dma_wait3A_77, %dma_wait3A_78] : memref<320000x128xf32, #tpu.memory_space<hbm>> -> memref<176x128xf32, #tpu.memory_space<hbm>>
      tpu.wait_dma2 semaphore(%arg13 : memref<!tpu.dma_semaphore, #tpu.memory_space<semaphore_mem>>) src(%dma_wait3A_79 : memref<176x128xf32, #tpu.memory_space<hbm>>) dst(%arg7 : memref<176x128xf32, #tpu.memory_space<vmem>>)
      %dma_wait3A_80 = arith.constant 0 : i32
      %dma_wait3A_81 = tpu.memref_slice %arg3[%dma_wait3A_80] : memref<320000xi32, #tpu.memory_space<hbm>> -> memref<176xi32, #tpu.memory_space<hbm>>
      %dma_wait3A_82 = arith.constant 0 : i32
      %dma_wait3A_83 = tpu.memref_slice %arg3[%dma_wait3A_82] : memref<320000xi32, #tpu.memory_space<hbm>> -> memref<176xi32, #tpu.memory_space<hbm>>
      tpu.wait_dma2 semaphore(%arg15 : memref<!tpu.dma_semaphore, #tpu.memory_space<semaphore_mem>>) src(%dma_wait3A_83 : memref<176xi32, #tpu.memory_space<hbm>>) dst(%arg9 : memref<176xi32, #tpu.memory_space<vmem>>)
      %mul3A_84 = arith.constant 2 : i32
      %mul3A_85 = arith.muli %mul3A_84, %scan3A_48 : i32
      %add3A_86 = arith.constant 2 : i32
      %add3A_87 = arith.addi %mul3A_85, %add3A_86 : i32
      %min3A = arith.constant 55 : i32
      %min3A_88 = arith.minsi %add3A_87, %min3A : i32
      %mul3A_89 = arith.constant 9856 : i32
      %mul3A_90 = arith.muli %add3A, %mul3A_89 : i32
      %mul3A_91 = arith.constant 176 : i32
      %mul3A_92 = arith.muli %min3A_88, %mul3A_91 : i32
      %add3A_93 = arith.addi %mul3A_90, %mul3A_92 : i32
      %dma_start3A_94 = arith.constant 0 : i32
      %dma_start3A_95 = tpu.memref_slice %arg2[%add3A_93, %dma_start3A_94] : memref<320000x128xf32, #tpu.memory_space<hbm>> -> memref<176x128xf32, #tpu.memory_space<hbm>>
      %dma_start3A_96 = arith.constant 0 : i32
      %dma_start3A_97 = tpu.memref_slice %arg2[%add3A_93, %dma_start3A_96] : memref<320000x128xf32, #tpu.memory_space<hbm>> -> memref<176x128xf32, #tpu.memory_space<hbm>>
      tpu.enqueue_dma source(%dma_start3A_97 : memref<176x128xf32, #tpu.memory_space<hbm>>) target(%arg6 : memref<176x128xf32, #tpu.memory_space<vmem>>) target_semaphore(%arg12 : memref<!tpu.dma_semaphore, #tpu.memory_space<semaphore_mem>>)
      %dma_start3A_98 = tpu.memref_slice %arg3[%add3A_93] : memref<320000xi32, #tpu.memory_space<hbm>> -> memref<176xi32, #tpu.memory_space<hbm>>
      %dma_start3A_99 = tpu.memref_slice %arg3[%add3A_93] : memref<320000xi32, #tpu.memory_space<hbm>> -> memref<176xi32, #tpu.memory_space<hbm>>
      tpu.enqueue_dma source(%dma_start3A_99 : memref<176xi32, #tpu.memory_space<hbm>>) target(%arg8 : memref<176xi32, #tpu.memory_space<vmem>>) target_semaphore(%arg14 : memref<!tpu.dma_semaphore, #tpu.memory_space<semaphore_mem>>)
      "tpu.region"() ({
        %run_scoped3A = tpu.sem_alloc : memref<!tpu.dma_semaphore, #tpu.memory_space<semaphore_mem>>
        %dma_start3A_100 = arith.constant 0 : i32
        %dma_start3A_101 = arith.constant 0 : i32
        %dma_start3A_102 = tpu.memref_slice %arg5[%dma_start3A_100, %dma_start3A_101] : memref<10240x128xf32, #tpu.memory_space<vmem_shared>> -> memref<10240x128xf32, #tpu.memory_space<vmem_shared>>
        tpu.enqueue_indirect_dma source(%arg7 : memref<176x128xf32, #tpu.memory_space<vmem>>) target(%dma_start3A_102 : memref<10240x128xf32, #tpu.memory_space<vmem_shared>>) offsets(%arg9 : memref<176xi32, #tpu.memory_space<vmem>>) semaphore(%run_scoped3A : memref<!tpu.dma_semaphore, #tpu.memory_space<semaphore_mem>>) {add = true}
        %dma_wait3A_103 = arith.constant 0 : i32
        %dma_wait3A_104 = arith.constant 0 : i32
        %dma_wait3A_105 = tpu.memref_slice %arg5[%dma_wait3A_103, %dma_wait3A_104] : memref<10240x128xf32, #tpu.memory_space<vmem_shared>> -> memref<10240x128xf32, #tpu.memory_space<vmem_shared>>
        tpu.wait_indirect_dma semaphore(%run_scoped3A : memref<!tpu.dma_semaphore, #tpu.memory_space<semaphore_mem>>) src(%arg7 : memref<176x128xf32, #tpu.memory_space<vmem>>) dst(%dma_wait3A_105 : memref<10240x128xf32, #tpu.memory_space<vmem_shared>>)
        tpu.yield
      }) : () -> ()
    }
    %scan3A_27 = arith.constant 28 : i32
    %dma_wait3A = arith.constant 0 : i32
    %dma_wait3A_28 = arith.constant 0 : i32
    %dma_wait3A_29 = tpu.memref_slice %arg2[%dma_wait3A, %dma_wait3A_28] : memref<320000x128xf32, #tpu.memory_space<hbm>> -> memref<176x128xf32, #tpu.memory_space<hbm>>
    %dma_wait3A_30 = arith.constant 0 : i32
    %dma_wait3A_31 = arith.constant 0 : i32
    %dma_wait3A_32 = tpu.memref_slice %arg2[%dma_wait3A_30, %dma_wait3A_31] : memref<320000x128xf32, #tpu.memory_space<hbm>> -> memref<176x128xf32, #tpu.memory_space<hbm>>
    tpu.wait_dma2 semaphore(%arg12 : memref<!tpu.dma_semaphore, #tpu.memory_space<semaphore_mem>>) src(%dma_wait3A_32 : memref<176x128xf32, #tpu.memory_space<hbm>>) dst(%arg6 : memref<176x128xf32, #tpu.memory_space<vmem>>)
    %dma_wait3A_33 = arith.constant 0 : i32
    %dma_wait3A_34 = tpu.memref_slice %arg3[%dma_wait3A_33] : memref<320000xi32, #tpu.memory_space<hbm>> -> memref<176xi32, #tpu.memory_space<hbm>>
    %dma_wait3A_35 = arith.constant 0 : i32
    %dma_wait3A_36 = tpu.memref_slice %arg3[%dma_wait3A_35] : memref<320000xi32, #tpu.memory_space<hbm>> -> memref<176xi32, #tpu.memory_space<hbm>>
    tpu.wait_dma2 semaphore(%arg14 : memref<!tpu.dma_semaphore, #tpu.memory_space<semaphore_mem>>) src(%dma_wait3A_36 : memref<176xi32, #tpu.memory_space<hbm>>) dst(%arg8 : memref<176xi32, #tpu.memory_space<vmem>>)
    %mul3A_37 = arith.constant 144 : i32
    %mul3A_38 = arith.muli %add3A, %mul3A_37 : i32
    %add3A_39 = arith.constant 315392 : i32
    %add3A_40 = arith.addi %add3A_39, %mul3A_38 : i32
    "tpu.region"() ({
      %run_scoped3A = tpu.sem_alloc : memref<!tpu.dma_semaphore, #tpu.memory_space<semaphore_mem>>
      %dma_start3A_48 = arith.constant 0 : i32
      %dma_start3A_49 = arith.constant 0 : i32
      %dma_start3A_50 = tpu.memref_slice %arg6[%dma_start3A_48, %dma_start3A_49] : memref<176x128xf32, #tpu.memory_space<vmem>> -> memref<144x128xf32, #tpu.memory_space<vmem>>
      %dma_start3A_51 = arith.constant 0 : i32
      %dma_start3A_52 = tpu.memref_slice %arg2[%add3A_40, %dma_start3A_51] : memref<320000x128xf32, #tpu.memory_space<hbm>> -> memref<144x128xf32, #tpu.memory_space<hbm>>
      %dma_start3A_53 = arith.constant 0 : i32
      %dma_start3A_54 = arith.constant 0 : i32
      %dma_start3A_55 = tpu.memref_slice %arg6[%dma_start3A_53, %dma_start3A_54] : memref<176x128xf32, #tpu.memory_space<vmem>> -> memref<144x128xf32, #tpu.memory_space<vmem>>
      %dma_start3A_56 = arith.constant 0 : i32
      %dma_start3A_57 = tpu.memref_slice %arg2[%add3A_40, %dma_start3A_56] : memref<320000x128xf32, #tpu.memory_space<hbm>> -> memref<144x128xf32, #tpu.memory_space<hbm>>
      tpu.enqueue_dma source(%dma_start3A_57 : memref<144x128xf32, #tpu.memory_space<hbm>>) target(%dma_start3A_55 : memref<144x128xf32, #tpu.memory_space<vmem>>) target_semaphore(%run_scoped3A : memref<!tpu.dma_semaphore, #tpu.memory_space<semaphore_mem>>)
      %dma_wait3A_58 = arith.constant 0 : i32
      %dma_wait3A_59 = arith.constant 0 : i32
      %dma_wait3A_60 = tpu.memref_slice %arg6[%dma_wait3A_58, %dma_wait3A_59] : memref<176x128xf32, #tpu.memory_space<vmem>> -> memref<144x128xf32, #tpu.memory_space<vmem>>
      %dma_wait3A_61 = arith.constant 0 : i32
      %dma_wait3A_62 = tpu.memref_slice %arg2[%add3A_40, %dma_wait3A_61] : memref<320000x128xf32, #tpu.memory_space<hbm>> -> memref<144x128xf32, #tpu.memory_space<hbm>>
      %dma_wait3A_63 = arith.constant 0 : i32
      %dma_wait3A_64 = arith.constant 0 : i32
      %dma_wait3A_65 = tpu.memref_slice %arg6[%dma_wait3A_63, %dma_wait3A_64] : memref<176x128xf32, #tpu.memory_space<vmem>> -> memref<144x128xf32, #tpu.memory_space<vmem>>
      %dma_wait3A_66 = arith.constant 0 : i32
      %dma_wait3A_67 = tpu.memref_slice %arg2[%add3A_40, %dma_wait3A_66] : memref<320000x128xf32, #tpu.memory_space<hbm>> -> memref<144x128xf32, #tpu.memory_space<hbm>>
      tpu.wait_dma2 semaphore(%run_scoped3A : memref<!tpu.dma_semaphore, #tpu.memory_space<semaphore_mem>>) src(%dma_wait3A_67 : memref<144x128xf32, #tpu.memory_space<hbm>>) dst(%dma_wait3A_65 : memref<144x128xf32, #tpu.memory_space<vmem>>)
      tpu.yield
    }) : () -> ()
    "tpu.region"() ({
      %run_scoped3A = tpu.sem_alloc : memref<!tpu.dma_semaphore, #tpu.memory_space<semaphore_mem>>
      %dma_start3A_48 = tpu.memref_slice %arg3[%add3A_40] : memref<320000xi32, #tpu.memory_space<hbm>> -> memref<144xi32, #tpu.memory_space<hbm>>
      %dma_start3A_49 = tpu.memref_slice %arg3[%add3A_40] : memref<320000xi32, #tpu.memory_space<hbm>> -> memref<144xi32, #tpu.memory_space<hbm>>
      tpu.enqueue_dma source(%dma_start3A_49 : memref<144xi32, #tpu.memory_space<hbm>>) target(%arg10 : memref<144xi32, #tpu.memory_space<vmem>>) target_semaphore(%run_scoped3A : memref<!tpu.dma_semaphore, #tpu.memory_space<semaphore_mem>>)
      %dma_wait3A_50 = tpu.memref_slice %arg3[%add3A_40] : memref<320000xi32, #tpu.memory_space<hbm>> -> memref<144xi32, #tpu.memory_space<hbm>>
      %dma_wait3A_51 = tpu.memref_slice %arg3[%add3A_40] : memref<320000xi32, #tpu.memory_space<hbm>> -> memref<144xi32, #tpu.memory_space<hbm>>
      tpu.wait_dma2 semaphore(%run_scoped3A : memref<!tpu.dma_semaphore, #tpu.memory_space<semaphore_mem>>) src(%dma_wait3A_51 : memref<144xi32, #tpu.memory_space<hbm>>) dst(%arg10 : memref<144xi32, #tpu.memory_space<vmem>>)
      tpu.yield
    }) : () -> ()
    "tpu.region"() ({
      %run_scoped3A = tpu.sem_alloc : memref<!tpu.dma_semaphore, #tpu.memory_space<semaphore_mem>>
      %dma_start3A_48 = arith.constant 0 : i32
      %dma_start3A_49 = arith.constant 0 : i32
      %dma_start3A_50 = tpu.memref_slice %arg6[%dma_start3A_48, %dma_start3A_49] : memref<176x128xf32, #tpu.memory_space<vmem>> -> memref<144x128xf32, #tpu.memory_space<vmem>>
      %dma_start3A_51 = arith.constant 0 : i32
      %dma_start3A_52 = arith.constant 0 : i32
      %dma_start3A_53 = tpu.memref_slice %arg5[%dma_start3A_51, %dma_start3A_52] : memref<10240x128xf32, #tpu.memory_space<vmem_shared>> -> memref<10240x128xf32, #tpu.memory_space<vmem_shared>>
      tpu.enqueue_indirect_dma source(%dma_start3A_50 : memref<144x128xf32, #tpu.memory_space<vmem>>) target(%dma_start3A_53 : memref<10240x128xf32, #tpu.memory_space<vmem_shared>>) offsets(%arg10 : memref<144xi32, #tpu.memory_space<vmem>>) semaphore(%run_scoped3A : memref<!tpu.dma_semaphore, #tpu.memory_space<semaphore_mem>>) {add = true}
      %dma_wait3A_54 = arith.constant 0 : i32
      %dma_wait3A_55 = arith.constant 0 : i32
      %dma_wait3A_56 = tpu.memref_slice %arg6[%dma_wait3A_54, %dma_wait3A_55] : memref<176x128xf32, #tpu.memory_space<vmem>> -> memref<144x128xf32, #tpu.memory_space<vmem>>
      %dma_wait3A_57 = arith.constant 0 : i32
      %dma_wait3A_58 = arith.constant 0 : i32
      %dma_wait3A_59 = tpu.memref_slice %arg5[%dma_wait3A_57, %dma_wait3A_58] : memref<10240x128xf32, #tpu.memory_space<vmem_shared>> -> memref<10240x128xf32, #tpu.memory_space<vmem_shared>>
      tpu.wait_indirect_dma semaphore(%run_scoped3A : memref<!tpu.dma_semaphore, #tpu.memory_space<semaphore_mem>>) src(%dma_wait3A_56 : memref<144x128xf32, #tpu.memory_space<vmem>>) dst(%dma_wait3A_59 : memref<10240x128xf32, #tpu.memory_space<vmem_shared>>)
      tpu.yield
    }) : () -> ()
    %barrier3A_41 = arith.constant 0 : index
    tpu.barrier barrier_id(%barrier3A_41)
    %lt3A = arith.constant 15 : i32
    %lt3A_42 = arith.cmpi slt, %arg1, %lt3A : i32
    %convert_element_type3A = arith.extui %lt3A_42 : i1 to i32
    %cond3A = arith.constant 0 : i32
    %cond3A_43 = arith.cmpi ne, %convert_element_type3A, %cond3A : i32
    scf.if %cond3A_43 {
      %mul3A_48 = arith.constant 640 : i32
      %mul3A_49 = arith.muli %arg1, %mul3A_48 : i32
      %mul3A_50 = arith.constant 640 : i32
      %mul3A_51 = arith.muli %arg1, %mul3A_50 : i32
      "tpu.region"() ({
        %run_scoped3A = tpu.sem_alloc : memref<!tpu.dma_semaphore, #tpu.memory_space<semaphore_mem>>
        %dma_start3A_52 = arith.constant 0 : i32
        %dma_start3A_53 = tpu.memref_slice %arg4[%arg0, %mul3A_51, %dma_start3A_52] : memref<2x10000x128xf32, #tpu.memory_space<hbm>> -> memref<1x640x128xf32, #tpu.memory_space<hbm>>
        %dma_start3A_54 = tpu.memref_squeeze %dma_start3A_53 : memref<1x640x128xf32, #tpu.memory_space<hbm>> -> memref<640x128xf32, #tpu.memory_space<hbm>>
        %dma_start3A_55 = arith.constant 0 : i32
        %dma_start3A_56 = tpu.memref_slice %arg5[%mul3A_49, %dma_start3A_55] : memref<10240x128xf32, #tpu.memory_space<vmem_shared>> -> memref<640x128xf32, #tpu.memory_space<vmem_shared>>
        tpu.enqueue_dma source(%dma_start3A_56 : memref<640x128xf32, #tpu.memory_space<vmem_shared>>) target(%dma_start3A_54 : memref<640x128xf32, #tpu.memory_space<hbm>>) target_semaphore(%run_scoped3A : memref<!tpu.dma_semaphore, #tpu.memory_space<semaphore_mem>>)
        %dma_wait3A_57 = arith.constant 0 : i32
        %dma_wait3A_58 = tpu.memref_slice %arg4[%arg0, %mul3A_51, %dma_wait3A_57] : memref<2x10000x128xf32, #tpu.memory_space<hbm>> -> memref<1x640x128xf32, #tpu.memory_space<hbm>>
        %dma_wait3A_59 = tpu.memref_squeeze %dma_wait3A_58 : memref<1x640x128xf32, #tpu.memory_space<hbm>> -> memref<640x128xf32, #tpu.memory_space<hbm>>
        %dma_wait3A_60 = arith.constant 0 : i32
        %dma_wait3A_61 = tpu.memref_slice %arg5[%mul3A_49, %dma_wait3A_60] : memref<10240x128xf32, #tpu.memory_space<vmem_shared>> -> memref<640x128xf32, #tpu.memory_space<vmem_shared>>
        tpu.wait_dma2 semaphore(%run_scoped3A : memref<!tpu.dma_semaphore, #tpu.memory_space<semaphore_mem>>) src(%dma_wait3A_61 : memref<640x128xf32, #tpu.memory_space<vmem_shared>>) dst(%dma_wait3A_59 : memref<640x128xf32, #tpu.memory_space<hbm>>)
        tpu.yield
      }) : () -> ()
    } else {
    }
    %eq3A = arith.constant 15 : i32
    %eq3A_44 = arith.cmpi eq, %arg1, %eq3A : i32
    %convert_element_type3A_45 = arith.extui %eq3A_44 : i1 to i32
    %cond3A_46 = arith.constant 0 : i32
    %cond3A_47 = arith.cmpi ne, %convert_element_type3A_45, %cond3A_46 : i32
    scf.if %cond3A_47 {
      "tpu.region"() ({
        %run_scoped3A = tpu.sem_alloc : memref<!tpu.dma_semaphore, #tpu.memory_space<semaphore_mem>>
        %dma_start3A_48 = arith.constant 9600 : i32
        %dma_start3A_49 = arith.constant 0 : i32
        %dma_start3A_50 = tpu.memref_slice %arg4[%arg0, %dma_start3A_48, %dma_start3A_49] : memref<2x10000x128xf32, #tpu.memory_space<hbm>> -> memref<1x400x128xf32, #tpu.memory_space<hbm>>
        %dma_start3A_51 = tpu.memref_squeeze %dma_start3A_50 : memref<1x400x128xf32, #tpu.memory_space<hbm>> -> memref<400x128xf32, #tpu.memory_space<hbm>>
        %dma_start3A_52 = arith.constant 9600 : i32
        %dma_start3A_53 = arith.constant 0 : i32
        %dma_start3A_54 = tpu.memref_slice %arg5[%dma_start3A_52, %dma_start3A_53] : memref<10240x128xf32, #tpu.memory_space<vmem_shared>> -> memref<400x128xf32, #tpu.memory_space<vmem_shared>>
        tpu.enqueue_dma source(%dma_start3A_54 : memref<400x128xf32, #tpu.memory_space<vmem_shared>>) target(%dma_start3A_51 : memref<400x128xf32, #tpu.memory_space<hbm>>) target_semaphore(%run_scoped3A : memref<!tpu.dma_semaphore, #tpu.memory_space<semaphore_mem>>)
        %dma_wait3A_55 = arith.constant 9600 : i32
        %dma_wait3A_56 = arith.constant 0 : i32
        %dma_wait3A_57 = tpu.memref_slice %arg4[%arg0, %dma_wait3A_55, %dma_wait3A_56] : memref<2x10000x128xf32, #tpu.memory_space<hbm>> -> memref<1x400x128xf32, #tpu.memory_space<hbm>>
        %dma_wait3A_58 = tpu.memref_squeeze %dma_wait3A_57 : memref<1x400x128xf32, #tpu.memory_space<hbm>> -> memref<400x128xf32, #tpu.memory_space<hbm>>
        %dma_wait3A_59 = arith.constant 9600 : i32
        %dma_wait3A_60 = arith.constant 0 : i32
        %dma_wait3A_61 = tpu.memref_slice %arg5[%dma_wait3A_59, %dma_wait3A_60] : memref<10240x128xf32, #tpu.memory_space<vmem_shared>> -> memref<400x128xf32, #tpu.memory_space<vmem_shared>>
        tpu.wait_dma2 semaphore(%run_scoped3A : memref<!tpu.dma_semaphore, #tpu.memory_space<semaphore_mem>>) src(%dma_wait3A_61 : memref<400x128xf32, #tpu.memory_space<vmem_shared>>) dst(%dma_wait3A_58 : memref<400x128xf32, #tpu.memory_space<hbm>>)
        tpu.yield
      }) : () -> ()
    } else {
    }
    return
  }
}

module attributes {stable_mosaic.version = 14 : i64} {
  func.func @_dense_body(%arg0: i32, %arg1: memref<5000x128xf32, #tpu.memory_space<vmem>>, %arg2: memref<2x5000x128xf32, #tpu.memory_space<vmem>>, %arg3: memref<256x128xf32, #tpu.memory_space<vmem>>, %arg4: memref<1x128xf32, #tpu.memory_space<vmem>>, %arg5: memref<5000x128xf32, #tpu.memory_space<vmem>>) attributes {dimension_semantics = [#tpu.dimension_semantics<arbitrary>], iteration_bounds = array<i64: 2>, scalar_prefetch = 0 : i64, scratch_operands = 0 : i64, tpu.core_type = #tpu.core_type<tc>, window_params = [{transform_indices = @transform_0, window_bounds = array<i64: 5000, 128>}, {transform_indices = @transform_1, window_bounds = array<i64: 2, 5000, 128>}, {pipeline_mode = #tpu.pipeline_mode<synchronous>, transform_indices = @transform_2, window_bounds = array<i64: 256, 128>}, {pipeline_mode = #tpu.pipeline_mode<synchronous>, transform_indices = @transform_3, window_bounds = array<i64: 1, 128>}, {transform_indices = @transform_4, window_bounds = array<i64: 5000, 128>}]} {
    %get3A = arith.constant 0 : index
    %get3A_0 = arith.constant 0 : index
    %get3A_1 = arith.constant 0 : index
    %get3A_2 = vector.load %arg2[%get3A, %get3A_0, %get3A_1] : memref<2x5000x128xf32, #tpu.memory_space<vmem>>, vector<1x5000x128xf32>
    %get3A_3 = vector.shape_cast %get3A_2 : vector<1x5000x128xf32> to vector<5000x128xf32>
    %get3A_4 = arith.constant 1 : index
    %get3A_5 = arith.constant 0 : index
    %get3A_6 = arith.constant 0 : index
    %get3A_7 = vector.load %arg2[%get3A_4, %get3A_5, %get3A_6] : memref<2x5000x128xf32, #tpu.memory_space<vmem>>, vector<1x5000x128xf32>
    %get3A_8 = vector.shape_cast %get3A_7 : vector<1x5000x128xf32> to vector<5000x128xf32>
    %add3A = arith.addf %get3A_3, %get3A_8 : vector<5000x128xf32>
    %get3A_9 = arith.constant 0 : index
    %get3A_10 = arith.constant 0 : index
    %get3A_11 = vector.load %arg1[%get3A_9, %get3A_10] : memref<5000x128xf32, #tpu.memory_space<vmem>>, vector<5000x128xf32>
    %get3A_12 = arith.constant 0 : index
    %get3A_13 = arith.constant 0 : index
    %get3A_14 = vector.load %arg3[%get3A_12, %get3A_13] : memref<256x128xf32, #tpu.memory_space<vmem>>, vector<128x128xf32>
    %dot_general3A = arith.constant dense<0.000000e+00> : vector<5000x128xf32>
    %dot_general3A_15 = tpu.matmul %get3A_11, %get3A_14, %dot_general3A {dimension_numbers = #tpu.dot_dimension_numbers<[1], [0], [0], [1], [0, 0, 1, 1], [], []>, transpose_lhs_hint = false} : vector<5000x128xf32>, vector<128x128xf32>, vector<5000x128xf32> -> vector<5000x128xf32>
    %get3A_16 = arith.constant 128 : index
    %get3A_17 = arith.constant 0 : index
    %get3A_18 = vector.load %arg3[%get3A_16, %get3A_17] : memref<256x128xf32, #tpu.memory_space<vmem>>, vector<128x128xf32>
    %dot_general3A_19 = arith.constant dense<0.000000e+00> : vector<5000x128xf32>
    %dot_general3A_20 = tpu.matmul %add3A, %get3A_18, %dot_general3A_19 {dimension_numbers = #tpu.dot_dimension_numbers<[1], [0], [0], [1], [0, 0, 1, 1], [], []>, transpose_lhs_hint = false} : vector<5000x128xf32>, vector<128x128xf32>, vector<5000x128xf32> -> vector<5000x128xf32>
    %add3A_21 = arith.addf %dot_general3A_15, %dot_general3A_20 : vector<5000x128xf32>
    %get3A_22 = arith.constant 0 : index
    %get3A_23 = arith.constant 0 : index
    %get3A_24 = vector.load %arg4[%get3A_22, %get3A_23] : memref<1x128xf32, #tpu.memory_space<vmem>>, vector<1x128xf32>
    %add3A_25 = vector.broadcast %get3A_24 : vector<1x128xf32> to vector<5000x128xf32>
    %add3A_26 = arith.addf %add3A_21, %add3A_25 : vector<5000x128xf32>
    %max3A = arith.constant 0.000000e+00 : f32
    %max3A_27 = vector.broadcast %max3A : f32 to vector<5000x128xf32>
    %max3A_28 = arith.maximumf %add3A_26, %max3A_27 : vector<5000x128xf32>
    %swap3A = arith.constant 0 : index
    %swap3A_29 = arith.constant 0 : index
    %swap3A_30 = vector.load %arg5[%swap3A, %swap3A_29] : memref<5000x128xf32, #tpu.memory_space<vmem>>, vector<5000x128xf32>
    tpu.vector_store %arg5[%swap3A, %swap3A_29], %max3A_28 {strides = array<i32>} : memref<5000x128xf32, #tpu.memory_space<vmem>>, vector<5000x128xf32>,
    return
  }
  func.func @transform_0(%arg0: i32) -> (i32, i32) {
    %c0_i32 = arith.constant 0 : i32
    %c0_i32_0 = arith.constant 0 : i32
    return %arg0, %c0_i32 : i32, i32
  }
  func.func @transform_1(%arg0: i32) -> (i32, i32, i32) {
    %c0_i32 = arith.constant 0 : i32
    %c0_i32_0 = arith.constant 0 : i32
    %c0_i32_1 = arith.constant 0 : i32
    return %c0_i32, %arg0, %c0_i32_0 : i32, i32, i32
  }
  func.func @transform_2(%arg0: i32) -> (i32, i32) {
    %c0_i32 = arith.constant 0 : i32
    %c0_i32_0 = arith.constant 0 : i32
    %c0_i32_1 = arith.constant 0 : i32
    return %c0_i32, %c0_i32_0 : i32, i32
  }
  func.func @transform_3(%arg0: i32) -> (i32, i32) {
    %c0_i32 = arith.constant 0 : i32
    %c0_i32_0 = arith.constant 0 : i32
    %c0_i32_1 = arith.constant 0 : i32
    return %c0_i32, %c0_i32_0 : i32, i32
  }
  func.func @transform_4(%arg0: i32) -> (i32, i32) {
    %c0_i32 = arith.constant 0 : i32
    %c0_i32_0 = arith.constant 0 : i32
    return %arg0, %c0_i32 : i32, i32
  }
}

</mosaic_0001>

<sc_bundles>
// kernel: kernel.4.cloned.1.call-start
scs
__scs_entry_jumppad:
0x0: {  	(pc) =	sbr.rel $0x88, $3  }
0x1: {  	(tag) =	ssettag $0x0;
	lr =	simm.s32 $0x1  }
0x2: {  	[smem:$0x3F9C] =	sst lr;
	_ =	strace $0xD0000000  }
0x3: {  	_ = 	snop  }
0x4: {  	_ = 	snop  }
0x5: {  	_ = 	snop  }
0x6: {  	_ = 	snop  }
0x7: {  	_ = 	snop  }
__scs_overlays_trampoline_lowered:
0x8: {  	[smem:$0x3FAB] =	sst s0  }
0x9: {  	[smem:$0x3FAC] =	sst s1  }
0xa: {  	[smem:$0x3FAD] =	sst s2  }
0xb: {  	[smem:$0x3FAE] =	sst s3  }
0xc: {  	[smem:$0x3FAF] =	sst s4  }
0xd: {  	[smem:$0x3FB0] =	sst s5  }
0xe: {  	[smem:$0x3FB1] =	sst s6  }
0xf: {  	[smem:$0x3FB2] =	sst s7  }
0x10: {  	[smem:$0x3FB3] =	sst s8  }
0x11: {  	[smem:$0x3FB4] =	sst s9;
	s0 =	simm.s32 @!p0 $0x0  }
0x12: {  	s1 =	sld [smem:$0x3F9A];
	s0 =	simm.s32 @p0 $0x1  }
0x13: {  	[smem:$0x3FB5] =	sst s0;
	s0 =	simm.s32 @!p1 $0x0  }
0x14: {  	s2 =	sld [smem:$0x3F99];
	s0 =	simm.s32 @p1 $0x1  }
0x15: {  	[smem:$0x3FB6] =	sst s0;
	s0 =	simm.s32 @!p2 $0x0  }
0x16: {  	s3 =	sld [smem:$0x3FDB];
	s0 =	simm.s32 @p2 $0x1  }
0x17: {  	s4 =	simm.s32 $0x1BF5;
	[smem:$0x3FB8] =	sst s0  }
0x18: {  	s0 =	sld [smem:$0x3F9B];
	_ =	swait.ge [sflag:s4], $0x0  }
0x19: {  	s7 =	sld [smem:$0x3F9C]  }
0x1a: {  	s8 =	sadd.s32 $0xFFFFE003, lr  }
0x1b: {  	s9 =	sadd.s32 $0xFFFFFEF7, lr;
	s5 =	simm.s32 $0xFFFFFFFF;
	p2 =	slt.u32 s8, $0xFFFFF086  }
0x1c: {  	p1 =	slt.u32 s9, $0xF7A;
	s5 =	simm.s32 @!p2 $0x0  }
0x1d: {  	s5 =	simm.s32 @p1 $0x1;
	p0 =	seq.s32 s7, s2  }
0x1e: {  	s7 =	smul.u32 @!p0 $0xF7A, s2;
	p2 =	seq.s32 @!p0 s5, $0x0  }
0x1f: {  	s9 =	smul.u32 $0xF7A, s1;
	s8 =	simm.s32 @!p0 $0x1BF5;
	p2 =	por !p2, p0  }
0x20: {  	[sflag:s8] =	ssyncset.s32 @!p0 $0xFFFFF086;
	s6 =	sadd.s32 @!p0 s3, s7;
	s7 =	simm.s32 @!p0 $0x108  }
0x21: {  	s3 =	sadd.s32 s3, s9;
	s6 =	sadd.s32 @!p0 $0x88, s6;
	s7 =	simm.s32 @p2 $0x1082  }
0x22: {  	[simem:s7], [sflag:s8] =	dma.local @!p0 [hbm:s6], $0xF7A  }
0x23: {  	s9 =	sor.u32 $0xD0000000, s2;
	s6 =	simm.s32 $0x108;
	_ =	swait.ge @!p0 [sflag:s8], $0x0  }
0x24: {  	s3 =	sadd.s32 $0x88, s3;
	s6 =	simm.s32 @!p1 $0x1082;
	[sflag:s4] =	ssyncset.s32 $0xFFFFF086  }
0x25: {  	[simem:s6], [sflag:s4] =	dma.local [hbm:s3], $0xF7A  }
0x26: {  	[smem:$0x3F9C] =	sst s1;
	(tag) =	ssettag s2;
	_ =	strace s9  }
0x27: {  	s1 =	sld [smem:$0x3FAC]  }
0x28: {  	s2 =	sld [smem:$0x3FAD]  }
0x29: {  	s4 =	sld [smem:$0x3FAF]  }
0x2a: {  	p0 =	seq.s32 s5, $0x0;
	s5 =	sld [smem:$0x3FB0]  }
0x2b: {  	s6 =	sld [smem:$0x3FB1]  }
0x2c: {  	s7 =	sld [smem:$0x3FB2]  }
0x2d: {  	s3 =	simm.s32 $0x108;
	s8 =	sld [smem:$0x3FB3]  }
0x2e: {  	s3 =	simm.s32 @!p0 $0x1082;
	s9 =	sld [smem:$0x3FB4]  }
0x2f: {  	lr =	sadd.s32 s0, s3;
	s0 =	sld [smem:$0x3FAB]  }
0x30: {  	s3 =	sld [smem:$0x3FAE]  }
0x31: {  	[smem:$0x3FB7] =	sst s10  }
0x32: {  	s10 =	sld [smem:$0x3FB5];
	_ =	sdelay $0x3  }
0x33: {  	p0 =	seq.s32 s10, $0x1;
	s10 =	sld [smem:$0x3FB7];
	_ =	sdelay $0x3  }
0x34: {  	[smem:$0x3FB7] =	sst s10  }
0x35: {  	s10 =	sld [smem:$0x3FB6];
	_ =	sdelay $0x3  }
0x36: {  	p1 =	seq.s32 s10, $0x1;
	s10 =	sld [smem:$0x3FB7];
	_ =	sdelay $0x3  }
0x37: {  	[smem:$0x3FB7] =	sst s10  }
0x38: {  	s10 =	sld [smem:$0x3FB8]  }
0x39: {  	_ = 	snop;
	(pc) =	sbr.ind lr, $3  }
0x3a: {  	_ = 	snop  }
0x3b: {  	_ = 	snop  }
0x3c: {  	p2 =	seq.s32 s10, $0x1;
	s10 =	sld [smem:$0x3FB7]  }
0x3d: {  	_ =	shalt  }
0x3e: {  	_ =	shalt  }
0x3f: {  	_ =	shalt  }
0x40: {  	_ =	shalt  }
0x41: {  	_ =	shalt  }
0x42: {  	_ =	shalt  }
0x43: {  	_ =	shalt  }
0x44: {  	_ =	shalt  }
0x45: {  	_ =	shalt  }
0x46: {  	_ =	shalt  }
0x47: {  	_ =	shalt  }
0x48: {  	_ =	shalt  }
0x49: {  	_ =	shalt  }
0x4a: {  	_ =	shalt  }
0x4b: {  	_ =	shalt  }
0x4c: {  	_ =	shalt  }
0x4d: {  	_ =	shalt  }
0x4e: {  	_ =	shalt  }
0x4f: {  	_ =	shalt  }
0x50: {  	_ =	shalt  }
0x51: {  	_ =	shalt  }
0x52: {  	_ =	shalt  }
0x53: {  	_ =	shalt  }
0x54: {  	_ =	shalt  }
0x55: {  	_ =	shalt  }
0x56: {  	_ =	shalt  }
0x57: {  	_ =	shalt  }
0x58: {  	_ =	shalt  }
0x59: {  	_ =	shalt  }
0x5a: {  	_ =	shalt  }
0x5b: {  	_ =	shalt  }
0x5c: {  	_ =	shalt  }
0x5d: {  	_ =	shalt  }
0x5e: {  	_ =	shalt  }
0x5f: {  	_ =	shalt  }
0x60: {  	_ =	shalt  }
0x61: {  	_ =	shalt  }
0x62: {  	_ =	shalt  }
0x63: {  	_ =	shalt  }
0x64: {  	_ =	shalt  }
0x65: {  	_ =	shalt  }
0x66: {  	_ =	shalt  }
0x67: {  	_ =	shalt  }
0x68: {  	_ =	shalt  }
0x69: {  	_ =	shalt  }
0x6a: {  	_ =	shalt  }
0x6b: {  	_ =	shalt  }
0x6c: {  	_ =	shalt  }
0x6d: {  	_ =	shalt  }
0x6e: {  	_ =	shalt  }
0x6f: {  	_ =	shalt  }
0x70: {  	_ =	shalt  }
0x71: {  	_ =	shalt  }
0x72: {  	_ =	shalt  }
0x73: {  	_ =	shalt  }
0x74: {  	_ =	shalt  }
0x75: {  	_ =	shalt  }
0x76: {  	_ =	shalt  }
0x77: {  	_ =	shalt  }
0x78: {  	_ =	shalt  }
0x79: {  	_ =	shalt  }
0x7a: {  	_ =	shalt  }
0x7b: {  	_ =	shalt  }
0x7c: {  	_ =	shalt  }
0x7d: {  	_ =	shalt  }
0x7e: {  	_ =	shalt  }
0x7f: {  	_ =	shalt  }
0x80: {  	_ =	shalt  }
0x81: {  	_ =	shalt  }
0x82: {  	_ =	shalt  }
0x83: {  	_ =	shalt  }
0x84: {  	_ =	shalt  }
0x85: {  	_ =	shalt  }
0x86: {  	_ =	shalt  }
0x87: {  	_ =	shalt  }
.Lfunc_end0:
.L_simem_size_0:
called_computation_lowered:
.L_overlay_start_0:
0x88: {  	s2 =	sld [smem:$0x3FD9]  }
0x89: {  	s3 =	sld [smem:$0x3FFE];
	_ =	sdelay $0x1  }
0x8a: {  	s1 =	srdreg.scid  }
0x8b: {  	s0 =	sand.u32 $0x1, s1  }
0x8c: {  	s17 =	sshll.u32 s0, $0xA;
	s2 =	sadd.s32 s3, s2  }
0x8d: {  	s2 =	sadd.s32 s2, s17  }
0x8e: {  	[smem:$0x3FC3] =	sst s2  }
0x8f: {  	_ = 	snop  }
0x90: {  	s2 =	sld [smem:$0x3FC8]  }
0x91: {  	s18 =	sld [smem:$0x3FC7];
	(tm) =	ssettm $0x1  }
0x92: {  	s4 =	sld [smem:$0x3FFB];
	_ =	sdelay $0x3  }
0x93: {  	_ =	strace s4  }
0x94: {  	s4 =	sld [smem:$0x3FFC];
	_ =	sdelay $0x3  }
0x95: {  	_ =	strace s4  }
0x96: {  	s4 =	sld [smem:$0x3FFD];
	_ =	sdelay $0x3  }
0x97: {  	_ =	strace s4  }
0x98: {  	_ =	strace $0x8FFFFFFF  }
0x99: {  	s19 =	sld [smem:$0x3FDB];
	_ =	sdelay $0x1  }
0x9a: {  	s5 =	simm.s32 $_scs_section_size  }
0x9b: {  	s6 =	simm.s32 $_size__tile_overlayer_lowered;
	s7 =	simm.s32 $_tile_overlayer_lowered  }
0x9c: {  	s22 =	simm.s32 $0x1BFF;
	s21 =	sshll.u32 s7, $0x1;
	s4 =	sadd.s32 s5, s19  }
0x9d: {  	s8 =	simm.s32 $0x0;
	s20 =	sshll.u32 s6, $0x1;
	s6 =	sadd.s32 s21, s4  }
0x9e: {  	[timem:s8], [sflag:s22] =	dma.local [hbm:s6], s20  }
0x9f: {  	_ =	swait.ge [sflag:s22], s20  }
0xa0: {  	s5 =	ssub.s32 $0x0, s20;
	[sflag:s22] =	ssyncset.done $0x0  }
0xa1: {  	[sflag:s22] =	ssyncadd.s32 s5;
	_ =	sdelay $0x1  }
0xa2: {  	s23 =	simm.s32 $0x1B8B  }
0xa3: {  	_ =	swait.ge [sflag:s23], $0x1  }
0xa4: {  	[sflag:s23] =	ssyncset.done $0x0  }
0xa5: {  	s25 =	simm.s32 $0x1B8E;
	s24 =	sld [smem:$0x3FFE];
	[sflag:s23] =	ssyncadd.s32 $0xFFFFFFFF  }
0xa6: {  	s26 =	simm.s32 $execute0_lowered;
	[smem:$0x3FD2] =	sst s25  }
0xa7: {  	s6 =	sshll.u32 s26, $0x1;
	_ =	strace $0x80000046;
	[dreg:$0x1] =	wrdreg $0xFFFFFFFF  }
0xa8: {  	s28 =	simm.s32 $_size_execute0_lowered;
	s4 =	sadd.s32 s4, s6;
	[dreg:$0x0] =	wrdreg $0x0  }
0xa9: {  	s6 =	sshll.u32 s28, $0x1;
	[dreg:$0x2] =	wrdreg s4  }
0xaa: {  	[dreg:$0x3] =	wrdreg s6  }
0xab: {  	[dreg:$0x4] =	wrdreg $0xC0  }
0xac: {  	_ =	task [dreg:s8], $0x5FFFF  }
0xad: {  	[dreg:$0x1] =	wrdreg $0xFFFFFFFF  }
0xae: {  	[dreg:$0x0] =	wrdreg $0x60  }
0xaf: {  	[dreg:$0x2] =	wrdreg s2  }
0xb0: {  	[dreg:$0x3] =	wrdreg s18  }
0xb1: {  	[dreg:$0x4] =	wrdreg s24  }
0xb2: {  	[dreg:$0x5] =	wrdreg $0x0  }
0xb3: {  	[dreg:$0x6] =	wrdreg $0x9  }
0xb4: {  	_ =	task.clear_ibuf [dreg:s8], $0x7FFFF;
	_ =	strace $0x90000046  }
0xb5: {  	s29 =	simm.s32 $0x9;
	_ =	strace $0x80000048  }
0xb6: {  	_ =	swait.ge [sflag:s29], $0x1  }
0xb7: {  	[sflag:s29] =	ssyncadd.s32 $0xFFFFFFFF  }
0xb8: {  	_ =	strace $0x90000048  }
0xb9: {  	_ =	sfence  }
0xba: {  	s30 =	sld [smem:$0x0];
	_ =	sdelay $0x2  }
0xbb: {  	s31 =	sshll.u32 s1, $0xD;
	s1 =	sshrl.u32 s1, $0x2  }
0xbc: {  	s3 =	sand.u32 $0x4000, s31;
	s1 =	sadd.s32 s1, s30  }
0xbd: {  	s0 =	sor.u32 s3, s0;
	s1 =	sshll.u32 s1, $0x11  }
0xbe: {  	s0 =	sor.u32 s1, s0  }
0xbf: {  	s0 =	sadd.s32 $0x8F2B, s0  }
0xc0: {  	[sflag:s0] =	ssyncadd.remote.s32 $0x1  }
0xc1: {  	_ =	sfence.sel $0xFFFF  }
0xc2: {  	[dreg:$0x0] =	wrdreg $0xFFFFFFFF;
	(pc) =	sbr.abs _section_cstart, $3  }
0xc3: {  	[dreg:$0x1] =	wrdreg $0xFFFFFFFF  }
0xc4: {  	_ =	task.clear_ibuf [dreg:s8], $0x2FFFF;
	_ =	strace $0x9FFFFFFF  }
0xc5: {  	(tm) =	ssettm $0x7FFFFFFF  }
tec
execute0_lowered:
.L_overlay_start_1:
0x0: {  	(tag) =	ssettag $0x1  }
0x1: {  	s0 =	rddreg [dreg:$0x0]  }
0x2: {  	s1 =	rddreg [dreg:$0x1]  }
0x3: {  	s2 =	rddreg [dreg:$0x2]  }
0x4: {  	s4 =	srdreg.scid;
	s17 =	stileid.u32  }
0x5: {  	s3 =	rddreg [dreg:$0x3];
	s18 =	smul.u32 $0x50000, s17  }
0x6: {  	s28 =	simm.s32 $0xB0;
	s29 =	simm.s32 $0x2;
	s11 =	smul.u32 $0x14000, s17  }
0x7: {  	s30 =	simm.s32 $0x4;
	s31 =	simm.s32 $0x1F200;
	s14 =	smul.u32 $0x4D000, s17  }
0x8: {  	s5 =	sand.u32 $0x1, s4;
	s6 =	sshll.u32 s17, $0x1;
	s23 =	smul.u32 $0x4D00, s17  }
0x9: {  	s4 =	simm.s32 $0x0;
	s6 =	sor.u32 s5, s6;
	s10 =	smul.u32 $0x138800, s5  }
0xa: {  	s2 =	sadd.s32 $0xC00, s2;
	p0 =	seq.s32 s17, $0xF;
	s12 =	smul.u32 $0x2680, s6  }
0xb: {  	[smem:$0x7FF] =	sst s4;
	s7 =	ssub.s32 $0x2, s5;
	s9 =	smul.u32 $0x26800, s6  }
0xc: {  	_ =	strace $0x80000047;
	s8 =	sshrl.u32 s7, $0x1;
	s6 =	smul.u32 $0x90, s6  }
0xd: {  	s19 =	sshrl.u32 s18, $0x2;
	s18 =	simm.s32 $0x14000;
	s13 =	ssub.s32 s7, s8  }
0xe: {  	s21 =	sadd.s32 s11, s10;
	s10 =	sshrl.u32 s10, $0x3;
	s15 =	sadd.s32 s0, s9  }
0xf: {  	s16 =	sshrl.u32 s12, $0x3;
	s6 =	sadd.s32 $0x4D000, s6;
	s22 =	sadd.s32 s2, s10  }
0x10: {  	s24 =	sadd.s32 $0x25D0, s12;
	s12 =	smax.u32 s13, $0x1;
	[dreg:$0x5] =	wrdreg s15  }
0x11: {  	s7 =	sadd.s32 s1, s16;
	s20 =	sshll.u32 s6, $0x4;
	s6 =	sshrl.u32 s6, $0x3  }
0x12: {  	s11 =	sadd.s32 $0x25800, s22;
	s15 =	sadd.s32 $0x12C000, s3;
	s16 =	smul.u32 $0x2680, s5  }
0x13: {  	s25 =	sshll.u32 s24, $0x4;
	s5 =	smul.u32 $0x26800, s5;
	s22 =	simm.s32 $0x1  }
0x14: {  	[dreg:$0x6] =	wrdreg s7;
	s7 =	sadd.s32 s19, s3;
	s8 =	sadd.s32 s0, s20  }
0x15: {  	s6 =	sadd.s32 s1, s6;
	s13 =	sadd.s32 s0, s25;
	s0 =	sadd.s32 s14, s0  }
0x16: {  	s19 =	simm.s32 $0x1F000;
	s20 =	simm.s32 $0x1F300;
	[dreg:$0x7] =	wrdreg s8  }
0x17: {  	s25 =	sshrl.u32 @p0 s15, $0x3;
	[dreg:$0x8] =	wrdreg s6;
	s6 =	sshrl.u32 s21, $0x3  }
0x18: {  	s0 =	sadd.s32 s5, s0;
	s21 =	simm.s32 $0x5;
	s10 =	sadd.s32 s2, s6  }
0x19: {  	s2 =	sadd.s32 s16, s23;
	s6 =	sshrl.u32 s24, $0x3;
	s5 =	sadd.s32 $0xB00, s0  }
0x1a: {  	s23 =	simm.s32 $0x3;
	s24 =	simm.s32 $0x19800;
	s16 =	sadd.s32 $0xB0, s2  }
0x1b: {  	s0 =	simm.s32 $0x0;
	s14 =	sadd.s32 s1, s6;
	s26 =	sshrl.u32 s16, $0x3  }
0x1c: {  	v0 =	vimm.f32 $0.0e+00;
	s6 =	sadd.s32 $0x160, s2;
	s16 =	sadd.s32 s26, s1;
	s26 =	simm.s32 $0x1F100  }
.LBB2_1:
0x1d: {  	s2 =	rddreg [dreg:$0x5]  }
0x1e: {  	[tilespmem:s18], [sflag:$0x1] =	stream.linear.gather [hbm4b:s2+s4], $0x5800, $0x38;
	[tilespmem:$0x1FB00] =	vst v63  }
0x1f: {  	s17 =	rddreg [dreg:$0x6];
	s15 =	simm.s32 $0x0;
	s2 =	simm.s32 $0x0  }
0x20: {  	[tilespmem:s19], [sflag:$0x3] =	stream.linear.gather [hbm4b:s17+s4], $0xB0, $0x38;
	[tilespmem:$0x1FB00] =	vst v63  }
.LBB2_2:
0x21: {  	p1 =	sne.s32 s15, $0x1FC0  }
.Ltmp0:
0x22: {  	_ = 	snop;
	(pc) =	sbr.rel @p1 .LBB2_2-.Ltmp0, $4  }
0x23: {  	s17 =	sand.u32 $0x1E00, s15  }
0x24: {  	s8 =	sand.u32 $0x70, s2;
	s17 =	sshrl.u32 s17, $0x2  }
0x25: {  	s8 =	sor.u32 s8, s17  }
0x26: {  	s2 =	sadd.s32 $0x10, s2;
	s15 =	sadd.s32 $0x40, s15;
	[tilespmem:s8+$0x1F300] =	vst v0  }
0x27: {  	s2 =	sadd.s32 $0x0, s7  }
0x28: {  	[spmem:s2] =	stream.linear.scatter [tilespmem:s20], [sflag:$0x5], $0x800, $0x38;
	[tilespmem:$0x1FB00] =	vst v63  }
0x29: {  	s2 =	simm.s32 $0x2000;
	_ =	swait.ge [sflag:s21], $0x800  }
.LBB2_4:
0x2a: {  	s8 =	sshra.s32 s2, $0x2;
	[sflag:s21] =	ssyncset.done $0x0;
	p1 =	sne.s32 s2, $0x4E000  }
.Ltmp1:
0x2b: {  	s8 =	sadd.s32 s8, s7;
	[sflag:s21] =	ssyncadd.s32 $0xFFFFF800;
	(pc) =	sbr.rel @p1 .LBB2_4-.Ltmp1, $3  }
0x2c: {  	[spmem:s8] =	stream.linear.scatter [tilespmem:s20], [sflag:$0x5], $0x800, $0x38;
	[tilespmem:$0x1FB00] =	vst v63  }
0x2d: {  	s2 =	sadd.s32 $0x2000, s2;
	_ =	sdelay $0x1  }
0x2e: {  	_ =	swait.ge [sflag:s21], $0x800  }
0x2f: {  	[sflag:s21] =	ssyncset.done $0x0  }
0x30: {  	[sflag:s21] =	ssyncadd.s32 $0xFFFFF800  }
0x31: {  	[bflag:$0x0] =	sbarrier.arrive $0xFFFF  }
0x32: {  	_ =	swait.ge [sflag:s22], $0x5800  }
0x33: {  	[sflag:s22] =	ssyncset.done $0x0  }
0x34: {  	[sflag:s22] =	ssyncadd.s32 $0xFFFFA800  }
0x35: {  	_ =	swait.ge [sflag:s23], $0xB0  }
0x36: {  	[sflag:s23] =	ssyncset.done $0x0  }
0x37: {  	[sflag:s23] =	ssyncadd.s32 $0xFFFFFF50  }
0x38: {  	[tilespmem:s24], [sflag:$0x2] =	stream.linear.gather [hbm4b:s5+s4], $0x5800, $0x38;
	[tilespmem:$0x1FB00] =	vst v63  }
0x39: {  	s2 =	sadd.s32 $0x0, s16  }
0x3a: {  	[tilespmem:s26], [sflag:$0x4] =	stream.linear.gather [hbm4b:s2+s4], $0xB0, $0x38;
	[tilespmem:$0x1FB00] =	vst v63  }
0x3b: {  	_ = 	snop  }
0x3c: {  	[spmem:s3] =	stream.indirect.scatter.add.f32 [tilespmem:s18], [sflag:$0x5], $0x80, s19, s28, $0xb8;
	[tilespmem:$0x1FB00] =	vst v63  }
0x3d: {  	_ =	swait.ge [sflag:s21], $0x5800  }
0x3e: {  	[sflag:s21] =	ssyncset.done $0x0  }
0x3f: {  	[sflag:s21] =	ssyncadd.s32 $0xFFFFA800  }
0x40: {  	_ =	swait.ge [sflag:s29], $0x5800  }
0x41: {  	[sflag:s29] =	ssyncset.done $0x0  }
0x42: {  	[sflag:s29] =	ssyncadd.s32 $0xFFFFA800  }
0x43: {  	_ =	swait.ge [sflag:s30], $0xB0  }
0x44: {  	[sflag:s30] =	ssyncset.done $0x0  }
0x45: {  	s15 =	sadd.s32 $0xB00, s5;
	s8 =	sshrl.u32 s6, $0x3;
	[sflag:s30] =	ssyncadd.s32 $0xFFFFFF50  }
0x46: {  	[tilespmem:s18], [sflag:$0x1] =	stream.linear.gather [hbm4b:s15+s4], $0x5800, $0x38;
	[tilespmem:$0x1FB00] =	vst v63  }
0x47: {  	s17 =	sadd.s32 s1, s8  }
0x48: {  	[tilespmem:s19], [sflag:$0x3] =	stream.linear.gather [hbm4b:s17+s4], $0xB0, $0x38;
	[tilespmem:$0x1FB00] =	vst v63  }
0x49: {  	_ = 	snop  }
0x4a: {  	[spmem:s3] =	stream.indirect.scatter.add.f32 [tilespmem:s24], [sflag:$0x5], $0x80, s26, s28, $0xb8;
	[tilespmem:$0x1FB00] =	vst v63  }
0x4b: {  	s2 =	simm.s32 $0x2C;
	_ =	swait.ge [sflag:s21], $0x5800  }
0x4c: {  	s15 =	smov.u32 s5;
	s17 =	smov.u32 s6;
	[sflag:s21] =	ssyncset.done $0x0  }
.LBB2_6:
0x4d: {  	[sflag:s21] =	ssyncadd.s32 $0xFFFFA800;
	s15 =	sadd.s32 $0x1600, s15;
	s17 =	sadd.s32 $0x160, s17  }
0x4e: {  	p1 =	sne.s32 s2, $0x478;
	s8 =	smov.u32 s2;
	s2 =	sadd.s32 $0x2C, s2  }
0x4f: {  	_ =	swait.ge [sflag:s22], $0x5800  }
0x50: {  	[sflag:s22] =	ssyncset.done $0x0  }
0x51: {  	[sflag:s22] =	ssyncadd.s32 $0xFFFFA800  }
0x52: {  	_ =	swait.ge [sflag:s23], $0xB0  }
0x53: {  	[sflag:s23] =	ssyncset.done $0x0  }
0x54: {  	[sflag:s23] =	ssyncadd.s32 $0xFFFFFF50  }
0x55: {  	[tilespmem:s24], [sflag:$0x2] =	stream.linear.gather [hbm4b:s15+s4], $0x5800, $0x38;
	[tilespmem:$0x1FB00] =	vst v63  }
0x56: {  	s8 =	sadd.s32 s8, s16  }
0x57: {  	[tilespmem:s26], [sflag:$0x4] =	stream.linear.gather [hbm4b:s8+s4], $0xB0, $0x38;
	[tilespmem:$0x1FB00] =	vst v63  }
0x58: {  	_ = 	snop  }
0x59: {  	[spmem:s3] =	stream.indirect.scatter.add.f32 [tilespmem:s18], [sflag:$0x5], $0x80, s19, s28, $0xb8;
	[tilespmem:$0x1FB00] =	vst v63  }
0x5a: {  	_ =	swait.ge [sflag:s21], $0x5800  }
0x5b: {  	[sflag:s21] =	ssyncset.done $0x0  }
0x5c: {  	[sflag:s21] =	ssyncadd.s32 $0xFFFFA800  }
0x5d: {  	_ =	swait.ge [sflag:s29], $0x5800  }
0x5e: {  	[sflag:s29] =	ssyncset.done $0x0  }
0x5f: {  	[sflag:s29] =	ssyncadd.s32 $0xFFFFA800  }
0x60: {  	_ =	swait.ge [sflag:s30], $0xB0  }
0x61: {  	[sflag:s30] =	ssyncset.done $0x0  }
0x62: {  	s9 =	sshrl.u32 s17, $0x3;
	s8 =	sadd.s32 $0xB00, s15;
	[sflag:s30] =	ssyncadd.s32 $0xFFFFFF50  }
0x63: {  	[tilespmem:s18], [sflag:$0x1] =	stream.linear.gather [hbm4b:s8+s4], $0x5800, $0x38;
	[tilespmem:$0x1FB00] =	vst v63  }
0x64: {  	s8 =	sadd.s32 s1, s9  }
0x65: {  	[tilespmem:s19], [sflag:$0x3] =	stream.linear.gather [hbm4b:s8+s4], $0xB0, $0x38;
	[tilespmem:$0x1FB00] =	vst v63  }
.Ltmp2:
0x66: {  	_ = 	snop;
	(pc) =	sbr.rel @p1 .LBB2_6-.Ltmp2, $4  }
0x67: {  	_ = 	snop  }
0x68: {  	[spmem:s3] =	stream.indirect.scatter.add.f32 [tilespmem:s24], [sflag:$0x5], $0x80, s26, s28, $0xb8;
	[tilespmem:$0x1FB00] =	vst v63  }
0x69: {  	_ =	swait.ge [sflag:s21], $0x5800  }
0x6a: {  	[sflag:s21] =	ssyncset.done $0x0  }
0x6b: {  	[sflag:s21] =	ssyncadd.s32 $0xFFFFA800  }
0x6c: {  	_ =	swait.ge [sflag:s22], $0x5800  }
0x6d: {  	[sflag:s22] =	ssyncset.done $0x0  }
0x6e: {  	[sflag:s22] =	ssyncadd.s32 $0xFFFFA800  }
0x6f: {  	_ =	swait.ge [sflag:s23], $0xB0  }
0x70: {  	[sflag:s23] =	ssyncset.done $0x0  }
0x71: {  	[sflag:s23] =	ssyncadd.s32 $0xFFFFFF50  }
0x72: {  	[tilespmem:s24], [sflag:$0x2] =	stream.linear.gather [hbm4b:s13+s4], $0x5800, $0x38;
	[tilespmem:$0x1FB00] =	vst v63  }
0x73: {  	_ = 	snop  }
0x74: {  	[tilespmem:s26], [sflag:$0x4] =	stream.linear.gather [hbm4b:s14+s4], $0xB0, $0x38;
	[tilespmem:$0x1FB00] =	vst v63  }
0x75: {  	_ = 	snop  }
0x76: {  	[spmem:s3] =	stream.indirect.scatter.add.f32 [tilespmem:s18], [sflag:$0x5], $0x80, s19, s28, $0xb8;
	[tilespmem:$0x1FB00] =	vst v63  }
0x77: {  	_ =	swait.ge [sflag:s21], $0x5800  }
0x78: {  	[sflag:s21] =	ssyncset.done $0x0  }
0x79: {  	[sflag:s21] =	ssyncadd.s32 $0xFFFFA800  }
0x7a: {  	_ =	swait.ge [sflag:s29], $0x5800  }
0x7b: {  	[sflag:s29] =	ssyncset.done $0x0  }
0x7c: {  	[sflag:s29] =	ssyncadd.s32 $0xFFFFA800  }
0x7d: {  	_ =	swait.ge [sflag:s30], $0xB0  }
0x7e: {  	[sflag:s30] =	ssyncset.done $0x0  }
0x7f: {  	[sflag:s30] =	ssyncadd.s32 $0xFFFFFF50  }
0x80: {  	[tilespmem:s18], [sflag:$0x1] =	stream.linear.gather [hbm4b:s13+s4], $0x5800, $0x38;
	[tilespmem:$0x1FB00] =	vst v63  }
0x81: {  	_ = 	snop  }
0x82: {  	[tilespmem:s19], [sflag:$0x3] =	stream.linear.gather [hbm4b:s14+s4], $0xB0, $0x38;
	[tilespmem:$0x1FB00] =	vst v63  }
0x83: {  	_ = 	snop  }
0x84: {  	[spmem:s3] =	stream.indirect.scatter.add.f32 [tilespmem:s24], [sflag:$0x5], $0x80, s26, s28, $0xb8;
	[tilespmem:$0x1FB00] =	vst v63  }
0x85: {  	_ =	swait.ge [sflag:s21], $0x5800  }
0x86: {  	[sflag:s21] =	ssyncset.done $0x0  }
0x87: {  	[sflag:s21] =	ssyncadd.s32 $0xFFFFA800  }
0x88: {  	_ =	swait.ge [sflag:s22], $0x5800  }
0x89: {  	[sflag:s22] =	ssyncset.done $0x0  }
0x8a: {  	[sflag:s22] =	ssyncadd.s32 $0xFFFFA800  }
0x8b: {  	_ =	swait.ge [sflag:s23], $0xB0  }
0x8c: {  	[sflag:s23] =	ssyncset.done $0x0  }
0x8d: {  	s2 =	rddreg [dreg:$0x7];
	[sflag:s23] =	ssyncadd.s32 $0xFFFFFF50  }
0x8e: {  	[tilespmem:s18], [sflag:$0x5] =	stream.linear.gather [hbm4b:s2+s4], $0x4800, $0x38;
	[tilespmem:$0x1FB00] =	vst v63  }
0x8f: {  	_ =	swait.ge [sflag:s21], $0x4800  }
0x90: {  	[sflag:s21] =	ssyncset.done $0x0  }
0x91: {  	s15 =	rddreg [dreg:$0x8];
	[sflag:s21] =	ssyncadd.s32 $0xFFFFB800  }
0x92: {  	[tilespmem:s31], [sflag:$0x5] =	stream.linear.gather [hbm4b:s15+s4], $0x90, $0x38;
	[tilespmem:$0x1FB00] =	vst v63  }
0x93: {  	_ =	swait.ge [sflag:s21], $0x90  }
0x94: {  	[sflag:s21] =	ssyncset.done $0x0  }
0x95: {  	s17 =	simm.s32 $0x90;
	[sflag:s21] =	ssyncadd.s32 $0xFFFFFF70  }
0x96: {  	[spmem:s3] =	stream.indirect.scatter.add.f32 [tilespmem:s18], [sflag:$0x5], $0x80, s31, s17, $0xb8;
	[tilespmem:$0x1FB00] =	vst v63  }
0x97: {  	_ =	swait.ge [sflag:s21], $0x4800  }
0x98: {  	[sflag:s21] =	ssyncset.done $0x0  }
0x99: {  	[sflag:s21] =	ssyncadd.s32 $0xFFFFB800  }
0x9a: {  	s2 =	simm.s32 @p0 $0x1FC5;
	[bflag:$0x0] =	sbarrier.arrive $0xFFFF  }
0x9b: {  	[hbm:s11], [sflag:s2] =	dma.local @p0 [spmem:s25], $0x1900  }
0x9c: {  	s2 =	simm.s32 @p0 $0x5  }
0x9d: {  	s8 =	stileid.u32;
	s0 =	sadd.s32 $0x1, s0;
	_ =	swait.ge @p0 [sflag:s2], $0x1900  }
0x9e: {  	s8 =	sshll.u32 @!p0 s8, $0x6;
	p1 =	sne.s32 s0, s12;
	[sflag:s2] =	ssyncset.done @p0 $0x0  }
0x9f: {  	[sflag:s2] =	ssyncadd.s32 @p0 $0xFFFFE700;
	s2 =	sor.u32 @!p0 $0x1C05, s8;
	s8 =	sshrl.u32 @!p0 s7, $0x3  }
0xa0: {  	[hbm:s10], [sflag:s2] =	dma.local @!p0 [spmem:s8], $0x2800  }
.Ltmp3:
0xa1: {  	_ = 	snop;
	(pc) =	sbr.rel @p1 .LBB2_1-.Ltmp3, $4  }
0xa2: {  	s2 =	simm.s32 @!p0 $0x5  }
0xa3: {  	_ =	swait.ge @!p0 [sflag:s2], $0x2800  }
0xa4: {  	[sflag:s2] =	ssyncset.done @!p0 $0x0  }
0xa5: {  	[sflag:s2] =	ssyncadd.s32 @!p0 $0xFFFFD800  }
0xa6: {  	_ =	sfence.sel $0x180000  }
0xa7: {  	[bflag:$0x0] =	sbarrier.arrive $0xFFFF  }
0xa8: {  	_ =	strace $0x90000047  }
0xa9: {  	s0 =	stileid.u32;
	[bflag:$0x2] =	sbarrier.arrive $0xFFFF  }
0xaa: {  	p0 =	sne.s32 s0, $0x0;
	s0 =	rddreg [dreg:$0x4]  }
0xab: {  	s0 =	sadd.s32 @!p0 $0x100000, s0  }
0xac: {  	[sflag:s0] =	ssyncadd.tile.s32 @!p0 $0x1;
	_ =	shalt  }
.Lfunc_end2:
_tile_overlayer_lowered:
.L_overlay_start_2:
0xad: {  	(tag) =	ssettag $0x2  }
0xae: {  	s0 =	rddreg [dreg:$0x0];
	s2 =	stileid.u32  }
0xaf: {  	s1 =	rddreg [dreg:$0x1];
	p0 =	sne.s32 s2, $0x0  }
0xb0: {  	s3 =	rddreg [dreg:$0x2];
	[bflag:$0x3] =	sbarrier.arrive $0xFFFF;
	s2 =	simm.s32 @!p0 $0x1C05  }
0xb1: {  	[timem:s3], [sflag:s2] =	dma.local @!p0 [hbm:s0], s1  }
0xb2: {  	s0 =	simm.s32 @!p0 $0x5  }
0xb3: {  	_ =	swait.ge @!p0 [sflag:s0], s1  }
0xb4: {  	s1 =	ssub.s32 @!p0 $0x0, s1;
	[sflag:s0] =	ssyncset.done @!p0 $0x0  }
0xb5: {  	[sflag:s0] =	ssyncadd.s32 @!p0 s1  }
0xb6: {  	[bflag:$0x3] =	sbarrier.arrive $0xFFFF  }
0xb7: {  	_ =	shalt  }

</sc_bundles>
